<compile_context>
chip_gen: v7x
topology: tpu7x:2x2x1
jax: 0.10.2.dev20260603
libtpu: 0.0.44.dev20260713+nightly
codegen_flags: <defaults>
</compile_context>

<pallas_src>
import functools

import jax
import jax.numpy as jnp
from jax import lax
from jax.experimental import pallas as pl
from jax.experimental.pallas import tpu as pltpu
from jax.experimental.pallas import tpu_sc as plsc

BATCH = 16384
D = 128
NC = 2
NS = 16
NW = NC * NS
BPW = BATCH // NW
CHUNK = 128
NCH = BPW // CHUNK

_sc_mesh = plsc.VectorSubcoreMesh(core_axis_name="c", subcore_axis_name="s")


@functools.partial(
    pl.kernel,
    mesh=_sc_mesh,
    out_type=jax.ShapeDtypeStruct((BATCH, D), jnp.float32),
    scratch_types=[
        pltpu.VMEM((NCH, CHUNK), jnp.int32),
        pltpu.VMEM((BPW, D), jnp.float32),
        pltpu.SemaphoreType.DMA,
        pltpu.SemaphoreType.DMA,
        pltpu.SemaphoreType.DMA,
    ],
)
def _sc_gather(table_hbm, idx_hbm, out_hbm, idx_v, rows_v, isem, gsem, wsem):
    wid = lax.axis_index("s") * NC + lax.axis_index("c")
    base = wid * BPW
    idx_copies = [
        pltpu.async_copy(idx_hbm.at[wid, j], idx_v.at[j], isem)
        for j in range(NCH)
    ]
    gathers = []
    for j in range(NCH):
        idx_copies[j].wait()
        gathers.append(
            pltpu.async_copy(
                table_hbm.at[idx_v.at[j]],
                rows_v.at[pl.ds(j * CHUNK, CHUNK)],
                gsem,
            )
        )
    writes = []
    for j in range(NCH):
        gathers[j].wait()
        writes.append(
            pltpu.async_copy(
                rows_v.at[pl.ds(j * CHUNK, CHUNK)],
                out_hbm.at[pl.ds(base + j * CHUNK, CHUNK)],
                wsem,
            )
        )
    for w in writes:
        w.wait()


def _mlp_body(emb_ref, w1_ref, b1_ref, w2_ref, b2_ref, out_ref):
    h = jnp.dot(emb_ref[...], w1_ref[...], preferred_element_type=jnp.float32)
    h = h + b1_ref[...]
    h = h * jax.nn.sigmoid(h)
    o = jnp.dot(h, w2_ref[...], preferred_element_type=jnp.float32)
    out_ref[...] = o + b2_ref[...]


BLK = 8192


def kernel(t, table, W1, b1, W2, b2):
    idx = t.astype(jnp.int32).reshape(NW, NCH, CHUNK)
    emb = _sc_gather(table, idx)
    out = pl.pallas_call(
        _mlp_body,
        grid=(BATCH // BLK,),
        in_specs=[
            pl.BlockSpec((BLK, D), lambda i: (i, 0)),
            pl.BlockSpec((D, D), lambda i: (0, 0)),
            pl.BlockSpec((1, D), lambda i: (0, 0)),
            pl.BlockSpec((D, D), lambda i: (0, 0)),
            pl.BlockSpec((1, D), lambda i: (0, 0)),
        ],
        out_specs=pl.BlockSpec((BLK, D), lambda i: (i, 0)),
        out_shape=jax.ShapeDtypeStruct((BATCH, D), jnp.float32),
    )(emb, W1, b1.reshape(1, D), W2, b2.reshape(1, D))
    return out

# --- scband reference (transcript-rebuilt; emitter-appended) ---
"""Pipeline reference for scband-conditional-embedding-3934190043415 (READ-ONLY COPY).

The authoritative reference and input builder live on the scoring server;
editing this copy changes nothing except your own understanding.
"""

import jax, jax.numpy as jnp
import numpy as np

NUM_LABELS = 1000000
D_MODEL = 128
DIM = 128
BATCH = 16384


def setup_inputs(seed: int = 0) -> dict:
    key = jax.random.key(seed)
    k1, k2, k3, k4, k5, k6 = jax.random.split(key, 6)
    t = jax.random.randint(k1, (BATCH,), 0, 1000000)
    table = jax.random.normal(k2, (NUM_LABELS + 1, D_MODEL), dtype=jnp.float32) * 0.02
    # padding_idx=0 -> row 0 is zeros
    table = table.at[0].set(0.0)
    W1 = jax.random.normal(k3, (D_MODEL, DIM), dtype=jnp.float32) * (1.0 / np.sqrt(D_MODEL))
    b1 = jax.random.uniform(k4, (DIM,), dtype=jnp.float32, minval=-1.0 / np.sqrt(D_MODEL), maxval=1.0 / np.sqrt(D_MODEL))
    W2 = jax.random.normal(k5, (DIM, DIM), dtype=jnp.float32) * (1.0 / np.sqrt(DIM))
    b2 = jax.random.uniform(k6, (DIM,), dtype=jnp.float32, minval=-1.0 / np.sqrt(DIM), maxval=1.0 / np.sqrt(DIM))
    return {"t": t, "table": table, "W1": W1, "b1": b1, "W2": W2, "b2": b2}


def reference(t, table, W1, b1, W2, b2):
    # nn.Embedding(padding_idx=0) lookup
    emb = jnp.take(table, t, axis=0)
    # Linear(d_model, dim)
    h = emb @ W1 + b1
    # Swish: x * sigmoid(x)
    h = h * jax.nn.sigmoid(h)
    # Linear(dim, dim)
    out = h @ W2 + b2
    return out

if __name__ == "__main__":
    import jax
    _d = setup_inputs()
    print(jax.jit(kernel)(*tuple(_d.values())))

</pallas_src>

<mosaic_0001>
#map = affine_map<(d0, d1) -> (0, 0)>
#map1 = affine_map<(d0, d1) -> (0, 0, 0)>
module attributes {stable_mosaic.version = 14 : i64} {
  func.func @_sc_gather(%arg0: i32, %arg1: i32, %arg2: memref<1000001x128xf32, #tpu.memory_space<hbm>>, %arg3: memref<32x4x128xi32, #tpu.memory_space<hbm>>, %arg4: memref<16384x128xf32, #tpu.memory_space<hbm>>, %arg5: memref<4x128xi32, #tpu.memory_space<vmem>>, %arg6: memref<512x128xf32, #tpu.memory_space<vmem>>, %arg7: memref<!tpu.dma_semaphore, #tpu.memory_space<semaphore_mem>>, %arg8: memref<!tpu.dma_semaphore, #tpu.memory_space<semaphore_mem>>, %arg9: memref<!tpu.dma_semaphore, #tpu.memory_space<semaphore_mem>>) attributes {dimension_semantics = [#tpu.dimension_semantics<core_parallel>, #tpu.dimension_semantics<subcore_parallel>], iteration_bounds = array<i64: 2, 16>, scalar_prefetch = 0 : i64, scratch_operands = 5 : i64, tpu.core_type = #tpu.core_type<sc_vector_subcore>, window_params = [{transform_indices = #map}, {transform_indices = #map1}, {transform_indices = #map}]} {
    %mul3A = arith.constant 2 : i32
    %mul3A_0 = arith.muli %arg1, %mul3A : i32
    %add3A = arith.addi %mul3A_0, %arg0 : i32
    %mul3A_1 = arith.constant 512 : i32
    %mul3A_2 = arith.muli %add3A, %mul3A_1 : i32
    %dma_start3A = arith.constant 0 : i32
    %dma_start3A_3 = arith.constant 0 : i32
    %dma_start3A_4 = arith.constant 0 : i32
    %dma_start3A_5 = tpu.memref_slice %arg5[%dma_start3A_3, %dma_start3A_4] : memref<4x128xi32, #tpu.memory_space<vmem>> -> memref<1x128xi32, #tpu.memory_space<vmem>>
    %dma_start3A_6 = tpu.memref_squeeze %dma_start3A_5 : memref<1x128xi32, #tpu.memory_space<vmem>> -> memref<128xi32, #tpu.memory_space<vmem>>
    %dma_start3A_7 = arith.constant 0 : i32
    %dma_start3A_8 = tpu.memref_slice %arg3[%add3A, %dma_start3A, %dma_start3A_7] : memref<32x4x128xi32, #tpu.memory_space<hbm>> -> memref<1x1x128xi32, #tpu.memory_space<hbm>>
    %dma_start3A_9 = tpu.memref_squeeze %dma_start3A_8 : memref<1x1x128xi32, #tpu.memory_space<hbm>> -> memref<128xi32, #tpu.memory_space<hbm>>
    %dma_start3A_10 = arith.constant 0 : i32
    %dma_start3A_11 = tpu.memref_slice %arg5[%dma_start3A_3, %dma_start3A_10] : memref<4x128xi32, #tpu.memory_space<vmem>> -> memref<1x128xi32, #tpu.memory_space<vmem>>
    %dma_start3A_12 = tpu.memref_squeeze %dma_start3A_11 : memref<1x128xi32, #tpu.memory_space<vmem>> -> memref<128xi32, #tpu.memory_space<vmem>>
    %dma_start3A_13 = arith.constant 0 : i32
    %dma_start3A_14 = tpu.memref_slice %arg3[%add3A, %dma_start3A, %dma_start3A_13] : memref<32x4x128xi32, #tpu.memory_space<hbm>> -> memref<1x1x128xi32, #tpu.memory_space<hbm>>
    %dma_start3A_15 = tpu.memref_squeeze %dma_start3A_14 : memref<1x1x128xi32, #tpu.memory_space<hbm>> -> memref<128xi32, #tpu.memory_space<hbm>>
    tpu.enqueue_dma source(%dma_start3A_15 : memref<128xi32, #tpu.memory_space<hbm>>) target(%dma_start3A_12 : memref<128xi32, #tpu.memory_space<vmem>>) target_semaphore(%arg7 : memref<!tpu.dma_semaphore, #tpu.memory_space<semaphore_mem>>)
    %dma_start3A_16 = arith.constant 1 : i32
    %dma_start3A_17 = arith.constant 1 : i32
    %dma_start3A_18 = arith.constant 0 : i32
    %dma_start3A_19 = tpu.memref_slice %arg5[%dma_start3A_17, %dma_start3A_18] : memref<4x128xi32, #tpu.memory_space<vmem>> -> memref<1x128xi32, #tpu.memory_space<vmem>>
    %dma_start3A_20 = tpu.memref_squeeze %dma_start3A_19 : memref<1x128xi32, #tpu.memory_space<vmem>> -> memref<128xi32, #tpu.memory_space<vmem>>
    %dma_start3A_21 = arith.constant 0 : i32
    %dma_start3A_22 = tpu.memref_slice %arg3[%add3A, %dma_start3A_16, %dma_start3A_21] : memref<32x4x128xi32, #tpu.memory_space<hbm>> -> memref<1x1x128xi32, #tpu.memory_space<hbm>>
    %dma_start3A_23 = tpu.memref_squeeze %dma_start3A_22 : memref<1x1x128xi32, #tpu.memory_space<hbm>> -> memref<128xi32, #tpu.memory_space<hbm>>
    %dma_start3A_24 = arith.constant 0 : i32
    %dma_start3A_25 = tpu.memref_slice %arg5[%dma_start3A_17, %dma_start3A_24] : memref<4x128xi32, #tpu.memory_space<vmem>> -> memref<1x128xi32, #tpu.memory_space<vmem>>
    %dma_start3A_26 = tpu.memref_squeeze %dma_start3A_25 : memref<1x128xi32, #tpu.memory_space<vmem>> -> memref<128xi32, #tpu.memory_space<vmem>>
    %dma_start3A_27 = arith.constant 0 : i32
    %dma_start3A_28 = tpu.memref_slice %arg3[%add3A, %dma_start3A_16, %dma_start3A_27] : memref<32x4x128xi32, #tpu.memory_space<hbm>> -> memref<1x1x128xi32, #tpu.memory_space<hbm>>
    %dma_start3A_29 = tpu.memref_squeeze %dma_start3A_28 : memref<1x1x128xi32, #tpu.memory_space<hbm>> -> memref<128xi32, #tpu.memory_space<hbm>>
    tpu.enqueue_dma source(%dma_start3A_29 : memref<128xi32, #tpu.memory_space<hbm>>) target(%dma_start3A_26 : memref<128xi32, #tpu.memory_space<vmem>>) target_semaphore(%arg7 : memref<!tpu.dma_semaphore, #tpu.memory_space<semaphore_mem>>)
    %dma_start3A_30 = arith.constant 2 : i32
    %dma_start3A_31 = arith.constant 2 : i32
    %dma_start3A_32 = arith.constant 0 : i32
    %dma_start3A_33 = tpu.memref_slice %arg5[%dma_start3A_31, %dma_start3A_32] : memref<4x128xi32, #tpu.memory_space<vmem>> -> memref<1x128xi32, #tpu.memory_space<vmem>>
    %dma_start3A_34 = tpu.memref_squeeze %dma_start3A_33 : memref<1x128xi32, #tpu.memory_space<vmem>> -> memref<128xi32, #tpu.memory_space<vmem>>
    %dma_start3A_35 = arith.constant 0 : i32
    %dma_start3A_36 = tpu.memref_slice %arg3[%add3A, %dma_start3A_30, %dma_start3A_35] : memref<32x4x128xi32, #tpu.memory_space<hbm>> -> memref<1x1x128xi32, #tpu.memory_space<hbm>>
    %dma_start3A_37 = tpu.memref_squeeze %dma_start3A_36 : memref<1x1x128xi32, #tpu.memory_space<hbm>> -> memref<128xi32, #tpu.memory_space<hbm>>
    %dma_start3A_38 = arith.constant 0 : i32
    %dma_start3A_39 = tpu.memref_slice %arg5[%dma_start3A_31, %dma_start3A_38] : memref<4x128xi32, #tpu.memory_space<vmem>> -> memref<1x128xi32, #tpu.memory_space<vmem>>
    %dma_start3A_40 = tpu.memref_squeeze %dma_start3A_39 : memref<1x128xi32, #tpu.memory_space<vmem>> -> memref<128xi32, #tpu.memory_space<vmem>>
    %dma_start3A_41 = arith.constant 0 : i32
    %dma_start3A_42 = tpu.memref_slice %arg3[%add3A, %dma_start3A_30, %dma_start3A_41] : memref<32x4x128xi32, #tpu.memory_space<hbm>> -> memref<1x1x128xi32, #tpu.memory_space<hbm>>
    %dma_start3A_43 = tpu.memref_squeeze %dma_start3A_42 : memref<1x1x128xi32, #tpu.memory_space<hbm>> -> memref<128xi32, #tpu.memory_space<hbm>>
    tpu.enqueue_dma source(%dma_start3A_43 : memref<128xi32, #tpu.memory_space<hbm>>) target(%dma_start3A_40 : memref<128xi32, #tpu.memory_space<vmem>>) target_semaphore(%arg7 : memref<!tpu.dma_semaphore, #tpu.memory_space<semaphore_mem>>)
    %dma_start3A_44 = arith.constant 3 : i32
    %dma_start3A_45 = arith.constant 3 : i32
    %dma_start3A_46 = arith.constant 0 : i32
    %dma_start3A_47 = tpu.memref_slice %arg5[%dma_start3A_45, %dma_start3A_46] : memref<4x128xi32, #tpu.memory_space<vmem>> -> memref<1x128xi32, #tpu.memory_space<vmem>>
    %dma_start3A_48 = tpu.memref_squeeze %dma_start3A_47 : memref<1x128xi32, #tpu.memory_space<vmem>> -> memref<128xi32, #tpu.memory_space<vmem>>
    %dma_start3A_49 = arith.constant 0 : i32
    %dma_start3A_50 = tpu.memref_slice %arg3[%add3A, %dma_start3A_44, %dma_start3A_49] : memref<32x4x128xi32, #tpu.memory_space<hbm>> -> memref<1x1x128xi32, #tpu.memory_space<hbm>>
    %dma_start3A_51 = tpu.memref_squeeze %dma_start3A_50 : memref<1x1x128xi32, #tpu.memory_space<hbm>> -> memref<128xi32, #tpu.memory_space<hbm>>
    %dma_start3A_52 = arith.constant 0 : i32
    %dma_start3A_53 = tpu.memref_slice %arg5[%dma_start3A_45, %dma_start3A_52] : memref<4x128xi32, #tpu.memory_space<vmem>> -> memref<1x128xi32, #tpu.memory_space<vmem>>
    %dma_start3A_54 = tpu.memref_squeeze %dma_start3A_53 : memref<1x128xi32, #tpu.memory_space<vmem>> -> memref<128xi32, #tpu.memory_space<vmem>>
    %dma_start3A_55 = arith.constant 0 : i32
    %dma_start3A_56 = tpu.memref_slice %arg3[%add3A, %dma_start3A_44, %dma_start3A_55] : memref<32x4x128xi32, #tpu.memory_space<hbm>> -> memref<1x1x128xi32, #tpu.memory_space<hbm>>
    %dma_start3A_57 = tpu.memref_squeeze %dma_start3A_56 : memref<1x1x128xi32, #tpu.memory_space<hbm>> -> memref<128xi32, #tpu.memory_space<hbm>>
    tpu.enqueue_dma source(%dma_start3A_57 : memref<128xi32, #tpu.memory_space<hbm>>) target(%dma_start3A_54 : memref<128xi32, #tpu.memory_space<vmem>>) target_semaphore(%arg7 : memref<!tpu.dma_semaphore, #tpu.memory_space<semaphore_mem>>)
    %dma_wait3A = arith.constant 0 : i32
    %dma_wait3A_58 = arith.constant 0 : i32
    %dma_wait3A_59 = arith.constant 0 : i32
    %dma_wait3A_60 = tpu.memref_slice %arg5[%dma_wait3A_58, %dma_wait3A_59] : memref<4x128xi32, #tpu.memory_space<vmem>> -> memref<1x128xi32, #tpu.memory_space<vmem>>
    %dma_wait3A_61 = tpu.memref_squeeze %dma_wait3A_60 : memref<1x128xi32, #tpu.memory_space<vmem>> -> memref<128xi32, #tpu.memory_space<vmem>>
    %dma_wait3A_62 = arith.constant 0 : i32
    %dma_wait3A_63 = tpu.memref_slice %arg3[%add3A, %dma_wait3A, %dma_wait3A_62] : memref<32x4x128xi32, #tpu.memory_space<hbm>> -> memref<1x1x128xi32, #tpu.memory_space<hbm>>
    %dma_wait3A_64 = tpu.memref_squeeze %dma_wait3A_63 : memref<1x1x128xi32, #tpu.memory_space<hbm>> -> memref<128xi32, #tpu.memory_space<hbm>>
    %dma_wait3A_65 = arith.constant 0 : i32
    %dma_wait3A_66 = tpu.memref_slice %arg5[%dma_wait3A_58, %dma_wait3A_65] : memref<4x128xi32, #tpu.memory_space<vmem>> -> memref<1x128xi32, #tpu.memory_space<vmem>>
    %dma_wait3A_67 = tpu.memref_squeeze %dma_wait3A_66 : memref<1x128xi32, #tpu.memory_space<vmem>> -> memref<128xi32, #tpu.memory_space<vmem>>
    %dma_wait3A_68 = arith.constant 0 : i32
    %dma_wait3A_69 = tpu.memref_slice %arg3[%add3A, %dma_wait3A, %dma_wait3A_68] : memref<32x4x128xi32, #tpu.memory_space<hbm>> -> memref<1x1x128xi32, #tpu.memory_space<hbm>>
    %dma_wait3A_70 = tpu.memref_squeeze %dma_wait3A_69 : memref<1x1x128xi32, #tpu.memory_space<hbm>> -> memref<128xi32, #tpu.memory_space<hbm>>
    tpu.wait_dma2 semaphore(%arg7 : memref<!tpu.dma_semaphore, #tpu.memory_space<semaphore_mem>>) src(%dma_wait3A_70 : memref<128xi32, #tpu.memory_space<hbm>>) dst(%dma_wait3A_67 : memref<128xi32, #tpu.memory_space<vmem>>)
    %dma_start3A_71 = arith.constant 0 : i32
    %dma_start3A_72 = arith.constant 0 : i32
    %dma_start3A_73 = arith.constant 0 : i32
    %dma_start3A_74 = tpu.memref_slice %arg6[%dma_start3A_72, %dma_start3A_73] : memref<512x128xf32, #tpu.memory_space<vmem>> -> memref<128x128xf32, #tpu.memory_space<vmem>>
    %dma_start3A_75 = arith.constant 0 : i32
    %dma_start3A_76 = tpu.memref_slice %arg5[%dma_start3A_71, %dma_start3A_75] : memref<4x128xi32, #tpu.memory_space<vmem>> -> memref<1x128xi32, #tpu.memory_space<vmem>>
    %dma_start3A_77 = tpu.memref_squeeze %dma_start3A_76 : memref<1x128xi32, #tpu.memory_space<vmem>> -> memref<128xi32, #tpu.memory_space<vmem>>
    %dma_start3A_78 = arith.constant 0 : i32
    %dma_start3A_79 = arith.constant 0 : i32
    %dma_start3A_80 = tpu.memref_slice %arg2[%dma_start3A_78, %dma_start3A_79] : memref<1000001x128xf32, #tpu.memory_space<hbm>> -> memref<1000001x128xf32, #tpu.memory_space<hbm>>
    tpu.enqueue_indirect_dma source(%dma_start3A_80 : memref<1000001x128xf32, #tpu.memory_space<hbm>>) target(%dma_start3A_74 : memref<128x128xf32, #tpu.memory_space<vmem>>) offsets(%dma_start3A_77 : memref<128xi32, #tpu.memory_space<vmem>>) semaphore(%arg8 : memref<!tpu.dma_semaphore, #tpu.memory_space<semaphore_mem>>)
    %dma_wait3A_81 = arith.constant 1 : i32
    %dma_wait3A_82 = arith.constant 1 : i32
    %dma_wait3A_83 = arith.constant 0 : i32
    %dma_wait3A_84 = tpu.memref_slice %arg5[%dma_wait3A_82, %dma_wait3A_83] : memref<4x128xi32, #tpu.memory_space<vmem>> -> memref<1x128xi32, #tpu.memory_space<vmem>>
    %dma_wait3A_85 = tpu.memref_squeeze %dma_wait3A_84 : memref<1x128xi32, #tpu.memory_space<vmem>> -> memref<128xi32, #tpu.memory_space<vmem>>
    %dma_wait3A_86 = arith.constant 0 : i32
    %dma_wait3A_87 = tpu.memref_slice %arg3[%add3A, %dma_wait3A_81, %dma_wait3A_86] : memref<32x4x128xi32, #tpu.memory_space<hbm>> -> memref<1x1x128xi32, #tpu.memory_space<hbm>>
    %dma_wait3A_88 = tpu.memref_squeeze %dma_wait3A_87 : memref<1x1x128xi32, #tpu.memory_space<hbm>> -> memref<128xi32, #tpu.memory_space<hbm>>
    %dma_wait3A_89 = arith.constant 0 : i32
    %dma_wait3A_90 = tpu.memref_slice %arg5[%dma_wait3A_82, %dma_wait3A_89] : memref<4x128xi32, #tpu.memory_space<vmem>> -> memref<1x128xi32, #tpu.memory_space<vmem>>
    %dma_wait3A_91 = tpu.memref_squeeze %dma_wait3A_90 : memref<1x128xi32, #tpu.memory_space<vmem>> -> memref<128xi32, #tpu.memory_space<vmem>>
    %dma_wait3A_92 = arith.constant 0 : i32
    %dma_wait3A_93 = tpu.memref_slice %arg3[%add3A, %dma_wait3A_81, %dma_wait3A_92] : memref<32x4x128xi32, #tpu.memory_space<hbm>> -> memref<1x1x128xi32, #tpu.memory_space<hbm>>
    %dma_wait3A_94 = tpu.memref_squeeze %dma_wait3A_93 : memref<1x1x128xi32, #tpu.memory_space<hbm>> -> memref<128xi32, #tpu.memory_space<hbm>>
    tpu.wait_dma2 semaphore(%arg7 : memref<!tpu.dma_semaphore, #tpu.memory_space<semaphore_mem>>) src(%dma_wait3A_94 : memref<128xi32, #tpu.memory_space<hbm>>) dst(%dma_wait3A_91 : memref<128xi32, #tpu.memory_space<vmem>>)
    %dma_start3A_95 = arith.constant 1 : i32
    %dma_start3A_96 = arith.constant 128 : i32
    %dma_start3A_97 = arith.constant 0 : i32
    %dma_start3A_98 = tpu.memref_slice %arg6[%dma_start3A_96, %dma_start3A_97] : memref<512x128xf32, #tpu.memory_space<vmem>> -> memref<128x128xf32, #tpu.memory_space<vmem>>
    %dma_start3A_99 = arith.constant 0 : i32
    %dma_start3A_100 = tpu.memref_slice %arg5[%dma_start3A_95, %dma_start3A_99] : memref<4x128xi32, #tpu.memory_space<vmem>> -> memref<1x128xi32, #tpu.memory_space<vmem>>
    %dma_start3A_101 = tpu.memref_squeeze %dma_start3A_100 : memref<1x128xi32, #tpu.memory_space<vmem>> -> memref<128xi32, #tpu.memory_space<vmem>>
    %dma_start3A_102 = arith.constant 0 : i32
    %dma_start3A_103 = arith.constant 0 : i32
    %dma_start3A_104 = tpu.memref_slice %arg2[%dma_start3A_102, %dma_start3A_103] : memref<1000001x128xf32, #tpu.memory_space<hbm>> -> memref<1000001x128xf32, #tpu.memory_space<hbm>>
    tpu.enqueue_indirect_dma source(%dma_start3A_104 : memref<1000001x128xf32, #tpu.memory_space<hbm>>) target(%dma_start3A_98 : memref<128x128xf32, #tpu.memory_space<vmem>>) offsets(%dma_start3A_101 : memref<128xi32, #tpu.memory_space<vmem>>) semaphore(%arg8 : memref<!tpu.dma_semaphore, #tpu.memory_space<semaphore_mem>>)
    %dma_wait3A_105 = arith.constant 2 : i32
    %dma_wait3A_106 = arith.constant 2 : i32
    %dma_wait3A_107 = arith.constant 0 : i32
    %dma_wait3A_108 = tpu.memref_slice %arg5[%dma_wait3A_106, %dma_wait3A_107] : memref<4x128xi32, #tpu.memory_space<vmem>> -> memref<1x128xi32, #tpu.memory_space<vmem>>
    %dma_wait3A_109 = tpu.memref_squeeze %dma_wait3A_108 : memref<1x128xi32, #tpu.memory_space<vmem>> -> memref<128xi32, #tpu.memory_space<vmem>>
    %dma_wait3A_110 = arith.constant 0 : i32
    %dma_wait3A_111 = tpu.memref_slice %arg3[%add3A, %dma_wait3A_105, %dma_wait3A_110] : memref<32x4x128xi32, #tpu.memory_space<hbm>> -> memref<1x1x128xi32, #tpu.memory_space<hbm>>
    %dma_wait3A_112 = tpu.memref_squeeze %dma_wait3A_111 : memref<1x1x128xi32, #tpu.memory_space<hbm>> -> memref<128xi32, #tpu.memory_space<hbm>>
    %dma_wait3A_113 = arith.constant 0 : i32
    %dma_wait3A_114 = tpu.memref_slice %arg5[%dma_wait3A_106, %dma_wait3A_113] : memref<4x128xi32, #tpu.memory_space<vmem>> -> memref<1x128xi32, #tpu.memory_space<vmem>>
    %dma_wait3A_115 = tpu.memref_squeeze %dma_wait3A_114 : memref<1x128xi32, #tpu.memory_space<vmem>> -> memref<128xi32, #tpu.memory_space<vmem>>
    %dma_wait3A_116 = arith.constant 0 : i32
    %dma_wait3A_117 = tpu.memref_slice %arg3[%add3A, %dma_wait3A_105, %dma_wait3A_116] : memref<32x4x128xi32, #tpu.memory_space<hbm>> -> memref<1x1x128xi32, #tpu.memory_space<hbm>>
    %dma_wait3A_118 = tpu.memref_squeeze %dma_wait3A_117 : memref<1x1x128xi32, #tpu.memory_space<hbm>> -> memref<128xi32, #tpu.memory_space<hbm>>
    tpu.wait_dma2 semaphore(%arg7 : memref<!tpu.dma_semaphore, #tpu.memory_space<semaphore_mem>>) src(%dma_wait3A_118 : memref<128xi32, #tpu.memory_space<hbm>>) dst(%dma_wait3A_115 : memref<128xi32, #tpu.memory_space<vmem>>)
    %dma_start3A_119 = arith.constant 2 : i32
    %dma_start3A_120 = arith.constant 256 : i32
    %dma_start3A_121 = arith.constant 0 : i32
    %dma_start3A_122 = tpu.memref_slice %arg6[%dma_start3A_120, %dma_start3A_121] : memref<512x128xf32, #tpu.memory_space<vmem>> -> memref<128x128xf32, #tpu.memory_space<vmem>>
    %dma_start3A_123 = arith.constant 0 : i32
    %dma_start3A_124 = tpu.memref_slice %arg5[%dma_start3A_119, %dma_start3A_123] : memref<4x128xi32, #tpu.memory_space<vmem>> -> memref<1x128xi32, #tpu.memory_space<vmem>>
    %dma_start3A_125 = tpu.memref_squeeze %dma_start3A_124 : memref<1x128xi32, #tpu.memory_space<vmem>> -> memref<128xi32, #tpu.memory_space<vmem>>
    %dma_start3A_126 = arith.constant 0 : i32
    %dma_start3A_127 = arith.constant 0 : i32
    %dma_start3A_128 = tpu.memref_slice %arg2[%dma_start3A_126, %dma_start3A_127] : memref<1000001x128xf32, #tpu.memory_space<hbm>> -> memref<1000001x128xf32, #tpu.memory_space<hbm>>
    tpu.enqueue_indirect_dma source(%dma_start3A_128 : memref<1000001x128xf32, #tpu.memory_space<hbm>>) target(%dma_start3A_122 : memref<128x128xf32, #tpu.memory_space<vmem>>) offsets(%dma_start3A_125 : memref<128xi32, #tpu.memory_space<vmem>>) semaphore(%arg8 : memref<!tpu.dma_semaphore, #tpu.memory_space<semaphore_mem>>)
    %dma_wait3A_129 = arith.constant 3 : i32
    %dma_wait3A_130 = arith.constant 3 : i32
    %dma_wait3A_131 = arith.constant 0 : i32
    %dma_wait3A_132 = tpu.memref_slice %arg5[%dma_wait3A_130, %dma_wait3A_131] : memref<4x128xi32, #tpu.memory_space<vmem>> -> memref<1x128xi32, #tpu.memory_space<vmem>>
    %dma_wait3A_133 = tpu.memref_squeeze %dma_wait3A_132 : memref<1x128xi32, #tpu.memory_space<vmem>> -> memref<128xi32, #tpu.memory_space<vmem>>
    %dma_wait3A_134 = arith.constant 0 : i32
    %dma_wait3A_135 = tpu.memref_slice %arg3[%add3A, %dma_wait3A_129, %dma_wait3A_134] : memref<32x4x128xi32, #tpu.memory_space<hbm>> -> memref<1x1x128xi32, #tpu.memory_space<hbm>>
    %dma_wait3A_136 = tpu.memref_squeeze %dma_wait3A_135 : memref<1x1x128xi32, #tpu.memory_space<hbm>> -> memref<128xi32, #tpu.memory_space<hbm>>
    %dma_wait3A_137 = arith.constant 0 : i32
    %dma_wait3A_138 = tpu.memref_slice %arg5[%dma_wait3A_130, %dma_wait3A_137] : memref<4x128xi32, #tpu.memory_space<vmem>> -> memref<1x128xi32, #tpu.memory_space<vmem>>
    %dma_wait3A_139 = tpu.memref_squeeze %dma_wait3A_138 : memref<1x128xi32, #tpu.memory_space<vmem>> -> memref<128xi32, #tpu.memory_space<vmem>>
    %dma_wait3A_140 = arith.constant 0 : i32
    %dma_wait3A_141 = tpu.memref_slice %arg3[%add3A, %dma_wait3A_129, %dma_wait3A_140] : memref<32x4x128xi32, #tpu.memory_space<hbm>> -> memref<1x1x128xi32, #tpu.memory_space<hbm>>
    %dma_wait3A_142 = tpu.memref_squeeze %dma_wait3A_141 : memref<1x1x128xi32, #tpu.memory_space<hbm>> -> memref<128xi32, #tpu.memory_space<hbm>>
    tpu.wait_dma2 semaphore(%arg7 : memref<!tpu.dma_semaphore, #tpu.memory_space<semaphore_mem>>) src(%dma_wait3A_142 : memref<128xi32, #tpu.memory_space<hbm>>) dst(%dma_wait3A_139 : memref<128xi32, #tpu.memory_space<vmem>>)
    %dma_start3A_143 = arith.constant 3 : i32
    %dma_start3A_144 = arith.constant 384 : i32
    %dma_start3A_145 = arith.constant 0 : i32
    %dma_start3A_146 = tpu.memref_slice %arg6[%dma_start3A_144, %dma_start3A_145] : memref<512x128xf32, #tpu.memory_space<vmem>> -> memref<128x128xf32, #tpu.memory_space<vmem>>
    %dma_start3A_147 = arith.constant 0 : i32
    %dma_start3A_148 = tpu.memref_slice %arg5[%dma_start3A_143, %dma_start3A_147] : memref<4x128xi32, #tpu.memory_space<vmem>> -> memref<1x128xi32, #tpu.memory_space<vmem>>
    %dma_start3A_149 = tpu.memref_squeeze %dma_start3A_148 : memref<1x128xi32, #tpu.memory_space<vmem>> -> memref<128xi32, #tpu.memory_space<vmem>>
    %dma_start3A_150 = arith.constant 0 : i32
    %dma_start3A_151 = arith.constant 0 : i32
    %dma_start3A_152 = tpu.memref_slice %arg2[%dma_start3A_150, %dma_start3A_151] : memref<1000001x128xf32, #tpu.memory_space<hbm>> -> memref<1000001x128xf32, #tpu.memory_space<hbm>>
    tpu.enqueue_indirect_dma source(%dma_start3A_152 : memref<1000001x128xf32, #tpu.memory_space<hbm>>) target(%dma_start3A_146 : memref<128x128xf32, #tpu.memory_space<vmem>>) offsets(%dma_start3A_149 : memref<128xi32, #tpu.memory_space<vmem>>) semaphore(%arg8 : memref<!tpu.dma_semaphore, #tpu.memory_space<semaphore_mem>>)
    %dma_wait3A_153 = arith.constant 0 : i32
    %dma_wait3A_154 = arith.constant 0 : i32
    %dma_wait3A_155 = arith.constant 0 : i32
    %dma_wait3A_156 = tpu.memref_slice %arg6[%dma_wait3A_154, %dma_wait3A_155] : memref<512x128xf32, #tpu.memory_space<vmem>> -> memref<128x128xf32, #tpu.memory_space<vmem>>
    %dma_wait3A_157 = arith.constant 0 : i32
    %dma_wait3A_158 = tpu.memref_slice %arg5[%dma_wait3A_153, %dma_wait3A_157] : memref<4x128xi32, #tpu.memory_space<vmem>> -> memref<1x128xi32, #tpu.memory_space<vmem>>
    %dma_wait3A_159 = tpu.memref_squeeze %dma_wait3A_158 : memref<1x128xi32, #tpu.memory_space<vmem>> -> memref<128xi32, #tpu.memory_space<vmem>>
    %dma_wait3A_160 = arith.constant 0 : i32
    %dma_wait3A_161 = arith.constant 0 : i32
    %dma_wait3A_162 = tpu.memref_slice %arg2[%dma_wait3A_160, %dma_wait3A_161] : memref<1000001x128xf32, #tpu.memory_space<hbm>> -> memref<1000001x128xf32, #tpu.memory_space<hbm>>
    tpu.wait_indirect_dma semaphore(%arg8 : memref<!tpu.dma_semaphore, #tpu.memory_space<semaphore_mem>>) src(%dma_wait3A_162 : memref<1000001x128xf32, #tpu.memory_space<hbm>>) dst(%dma_wait3A_156 : memref<128x128xf32, #tpu.memory_space<vmem>>)
    %add3A_163 = arith.constant 0 : i32
    %add3A_164 = arith.addi %mul3A_2, %add3A_163 : i32
    %dma_start3A_165 = arith.constant 0 : i32
    %dma_start3A_166 = arith.constant 0 : i32
    %dma_start3A_167 = tpu.memref_slice %arg6[%dma_start3A_165, %dma_start3A_166] : memref<512x128xf32, #tpu.memory_space<vmem>> -> memref<128x128xf32, #tpu.memory_space<vmem>>
    %dma_start3A_168 = arith.constant 0 : i32
    %dma_start3A_169 = tpu.memref_slice %arg4[%add3A_164, %dma_start3A_168] : memref<16384x128xf32, #tpu.memory_space<hbm>> -> memref<128x128xf32, #tpu.memory_space<hbm>>
    %dma_start3A_170 = arith.constant 0 : i32
    %dma_start3A_171 = tpu.memref_slice %arg4[%add3A_164, %dma_start3A_170] : memref<16384x128xf32, #tpu.memory_space<hbm>> -> memref<128x128xf32, #tpu.memory_space<hbm>>
    %dma_start3A_172 = arith.constant 0 : i32
    %dma_start3A_173 = arith.constant 0 : i32
    %dma_start3A_174 = tpu.memref_slice %arg6[%dma_start3A_172, %dma_start3A_173] : memref<512x128xf32, #tpu.memory_space<vmem>> -> memref<128x128xf32, #tpu.memory_space<vmem>>
    tpu.enqueue_dma source(%dma_start3A_174 : memref<128x128xf32, #tpu.memory_space<vmem>>) target(%dma_start3A_171 : memref<128x128xf32, #tpu.memory_space<hbm>>) target_semaphore(%arg9 : memref<!tpu.dma_semaphore, #tpu.memory_space<semaphore_mem>>)
    %dma_wait3A_175 = arith.constant 1 : i32
    %dma_wait3A_176 = arith.constant 128 : i32
    %dma_wait3A_177 = arith.constant 0 : i32
    %dma_wait3A_178 = tpu.memref_slice %arg6[%dma_wait3A_176, %dma_wait3A_177] : memref<512x128xf32, #tpu.memory_space<vmem>> -> memref<128x128xf32, #tpu.memory_space<vmem>>
    %dma_wait3A_179 = arith.constant 0 : i32
    %dma_wait3A_180 = tpu.memref_slice %arg5[%dma_wait3A_175, %dma_wait3A_179] : memref<4x128xi32, #tpu.memory_space<vmem>> -> memref<1x128xi32, #tpu.memory_space<vmem>>
    %dma_wait3A_181 = tpu.memref_squeeze %dma_wait3A_180 : memref<1x128xi32, #tpu.memory_space<vmem>> -> memref<128xi32, #tpu.memory_space<vmem>>
    %dma_wait3A_182 = arith.constant 0 : i32
    %dma_wait3A_183 = arith.constant 0 : i32
    %dma_wait3A_184 = tpu.memref_slice %arg2[%dma_wait3A_182, %dma_wait3A_183] : memref<1000001x128xf32, #tpu.memory_space<hbm>> -> memref<1000001x128xf32, #tpu.memory_space<hbm>>
    tpu.wait_indirect_dma semaphore(%arg8 : memref<!tpu.dma_semaphore, #tpu.memory_space<semaphore_mem>>) src(%dma_wait3A_184 : memref<1000001x128xf32, #tpu.memory_space<hbm>>) dst(%dma_wait3A_178 : memref<128x128xf32, #tpu.memory_space<vmem>>)
    %add3A_185 = arith.constant 128 : i32
    %add3A_186 = arith.addi %mul3A_2, %add3A_185 : i32
    %dma_start3A_187 = arith.constant 128 : i32
    %dma_start3A_188 = arith.constant 0 : i32
    %dma_start3A_189 = tpu.memref_slice %arg6[%dma_start3A_187, %dma_start3A_188] : memref<512x128xf32, #tpu.memory_space<vmem>> -> memref<128x128xf32, #tpu.memory_space<vmem>>
    %dma_start3A_190 = arith.constant 0 : i32
    %dma_start3A_191 = tpu.memref_slice %arg4[%add3A_186, %dma_start3A_190] : memref<16384x128xf32, #tpu.memory_space<hbm>> -> memref<128x128xf32, #tpu.memory_space<hbm>>
    %dma_start3A_192 = arith.constant 0 : i32
    %dma_start3A_193 = tpu.memref_slice %arg4[%add3A_186, %dma_start3A_192] : memref<16384x128xf32, #tpu.memory_space<hbm>> -> memref<128x128xf32, #tpu.memory_space<hbm>>
    %dma_start3A_194 = arith.constant 128 : i32
    %dma_start3A_195 = arith.constant 0 : i32
    %dma_start3A_196 = tpu.memref_slice %arg6[%dma_start3A_194, %dma_start3A_195] : memref<512x128xf32, #tpu.memory_space<vmem>> -> memref<128x128xf32, #tpu.memory_space<vmem>>
    tpu.enqueue_dma source(%dma_start3A_196 : memref<128x128xf32, #tpu.memory_space<vmem>>) target(%dma_start3A_193 : memref<128x128xf32, #tpu.memory_space<hbm>>) target_semaphore(%arg9 : memref<!tpu.dma_semaphore, #tpu.memory_space<semaphore_mem>>)
    %dma_wait3A_197 = arith.constant 2 : i32
    %dma_wait3A_198 = arith.constant 256 : i32
    %dma_wait3A_199 = arith.constant 0 : i32
    %dma_wait3A_200 = tpu.memref_slice %arg6[%dma_wait3A_198, %dma_wait3A_199] : memref<512x128xf32, #tpu.memory_space<vmem>> -> memref<128x128xf32, #tpu.memory_space<vmem>>
    %dma_wait3A_201 = arith.constant 0 : i32
    %dma_wait3A_202 = tpu.memref_slice %arg5[%dma_wait3A_197, %dma_wait3A_201] : memref<4x128xi32, #tpu.memory_space<vmem>> -> memref<1x128xi32, #tpu.memory_space<vmem>>
    %dma_wait3A_203 = tpu.memref_squeeze %dma_wait3A_202 : memref<1x128xi32, #tpu.memory_space<vmem>> -> memref<128xi32, #tpu.memory_space<vmem>>
    %dma_wait3A_204 = arith.constant 0 : i32
    %dma_wait3A_205 = arith.constant 0 : i32
    %dma_wait3A_206 = tpu.memref_slice %arg2[%dma_wait3A_204, %dma_wait3A_205] : memref<1000001x128xf32, #tpu.memory_space<hbm>> -> memref<1000001x128xf32, #tpu.memory_space<hbm>>
    tpu.wait_indirect_dma semaphore(%arg8 : memref<!tpu.dma_semaphore, #tpu.memory_space<semaphore_mem>>) src(%dma_wait3A_206 : memref<1000001x128xf32, #tpu.memory_space<hbm>>) dst(%dma_wait3A_200 : memref<128x128xf32, #tpu.memory_space<vmem>>)
    %add3A_207 = arith.constant 256 : i32
    %add3A_208 = arith.addi %mul3A_2, %add3A_207 : i32
    %dma_start3A_209 = arith.constant 256 : i32
    %dma_start3A_210 = arith.constant 0 : i32
    %dma_start3A_211 = tpu.memref_slice %arg6[%dma_start3A_209, %dma_start3A_210] : memref<512x128xf32, #tpu.memory_space<vmem>> -> memref<128x128xf32, #tpu.memory_space<vmem>>
    %dma_start3A_212 = arith.constant 0 : i32
    %dma_start3A_213 = tpu.memref_slice %arg4[%add3A_208, %dma_start3A_212] : memref<16384x128xf32, #tpu.memory_space<hbm>> -> memref<128x128xf32, #tpu.memory_space<hbm>>
    %dma_start3A_214 = arith.constant 0 : i32
    %dma_start3A_215 = tpu.memref_slice %arg4[%add3A_208, %dma_start3A_214] : memref<16384x128xf32, #tpu.memory_space<hbm>> -> memref<128x128xf32, #tpu.memory_space<hbm>>
    %dma_start3A_216 = arith.constant 256 : i32
    %dma_start3A_217 = arith.constant 0 : i32
    %dma_start3A_218 = tpu.memref_slice %arg6[%dma_start3A_216, %dma_start3A_217] : memref<512x128xf32, #tpu.memory_space<vmem>> -> memref<128x128xf32, #tpu.memory_space<vmem>>
    tpu.enqueue_dma source(%dma_start3A_218 : memref<128x128xf32, #tpu.memory_space<vmem>>) target(%dma_start3A_215 : memref<128x128xf32, #tpu.memory_space<hbm>>) target_semaphore(%arg9 : memref<!tpu.dma_semaphore, #tpu.memory_space<semaphore_mem>>)
    %dma_wait3A_219 = arith.constant 3 : i32
    %dma_wait3A_220 = arith.constant 384 : i32
    %dma_wait3A_221 = arith.constant 0 : i32
    %dma_wait3A_222 = tpu.memref_slice %arg6[%dma_wait3A_220, %dma_wait3A_221] : memref<512x128xf32, #tpu.memory_space<vmem>> -> memref<128x128xf32, #tpu.memory_space<vmem>>
    %dma_wait3A_223 = arith.constant 0 : i32
    %dma_wait3A_224 = tpu.memref_slice %arg5[%dma_wait3A_219, %dma_wait3A_223] : memref<4x128xi32, #tpu.memory_space<vmem>> -> memref<1x128xi32, #tpu.memory_space<vmem>>
    %dma_wait3A_225 = tpu.memref_squeeze %dma_wait3A_224 : memref<1x128xi32, #tpu.memory_space<vmem>> -> memref<128xi32, #tpu.memory_space<vmem>>
    %dma_wait3A_226 = arith.constant 0 : i32
    %dma_wait3A_227 = arith.constant 0 : i32
    %dma_wait3A_228 = tpu.memref_slice %arg2[%dma_wait3A_226, %dma_wait3A_227] : memref<1000001x128xf32, #tpu.memory_space<hbm>> -> memref<1000001x128xf32, #tpu.memory_space<hbm>>
    tpu.wait_indirect_dma semaphore(%arg8 : memref<!tpu.dma_semaphore, #tpu.memory_space<semaphore_mem>>) src(%dma_wait3A_228 : memref<1000001x128xf32, #tpu.memory_space<hbm>>) dst(%dma_wait3A_222 : memref<128x128xf32, #tpu.memory_space<vmem>>)
    %add3A_229 = arith.constant 384 : i32
    %add3A_230 = arith.addi %mul3A_2, %add3A_229 : i32
    %dma_start3A_231 = arith.constant 384 : i32
    %dma_start3A_232 = arith.constant 0 : i32
    %dma_start3A_233 = tpu.memref_slice %arg6[%dma_start3A_231, %dma_start3A_232] : memref<512x128xf32, #tpu.memory_space<vmem>> -> memref<128x128xf32, #tpu.memory_space<vmem>>
    %dma_start3A_234 = arith.constant 0 : i32
    %dma_start3A_235 = tpu.memref_slice %arg4[%add3A_230, %dma_start3A_234] : memref<16384x128xf32, #tpu.memory_space<hbm>> -> memref<128x128xf32, #tpu.memory_space<hbm>>
    %dma_start3A_236 = arith.constant 0 : i32
    %dma_start3A_237 = tpu.memref_slice %arg4[%add3A_230, %dma_start3A_236] : memref<16384x128xf32, #tpu.memory_space<hbm>> -> memref<128x128xf32, #tpu.memory_space<hbm>>
    %dma_start3A_238 = arith.constant 384 : i32
    %dma_start3A_239 = arith.constant 0 : i32
    %dma_start3A_240 = tpu.memref_slice %arg6[%dma_start3A_238, %dma_start3A_239] : memref<512x128xf32, #tpu.memory_space<vmem>> -> memref<128x128xf32, #tpu.memory_space<vmem>>
    tpu.enqueue_dma source(%dma_start3A_240 : memref<128x128xf32, #tpu.memory_space<vmem>>) target(%dma_start3A_237 : memref<128x128xf32, #tpu.memory_space<hbm>>) target_semaphore(%arg9 : memref<!tpu.dma_semaphore, #tpu.memory_space<semaphore_mem>>)
    %dma_wait3A_241 = arith.constant 0 : i32
    %dma_wait3A_242 = arith.constant 0 : i32
    %dma_wait3A_243 = tpu.memref_slice %arg6[%dma_wait3A_241, %dma_wait3A_242] : memref<512x128xf32, #tpu.memory_space<vmem>> -> memref<128x128xf32, #tpu.memory_space<vmem>>
    %dma_wait3A_244 = arith.constant 0 : i32
    %dma_wait3A_245 = tpu.memref_slice %arg4[%add3A_164, %dma_wait3A_244] : memref<16384x128xf32, #tpu.memory_space<hbm>> -> memref<128x128xf32, #tpu.memory_space<hbm>>
    %dma_wait3A_246 = arith.constant 0 : i32
    %dma_wait3A_247 = tpu.memref_slice %arg4[%add3A_164, %dma_wait3A_246] : memref<16384x128xf32, #tpu.memory_space<hbm>> -> memref<128x128xf32, #tpu.memory_space<hbm>>
    %dma_wait3A_248 = arith.constant 0 : i32
    %dma_wait3A_249 = arith.constant 0 : i32
    %dma_wait3A_250 = tpu.memref_slice %arg6[%dma_wait3A_248, %dma_wait3A_249] : memref<512x128xf32, #tpu.memory_space<vmem>> -> memref<128x128xf32, #tpu.memory_space<vmem>>
    tpu.wait_dma2 semaphore(%arg9 : memref<!tpu.dma_semaphore, #tpu.memory_space<semaphore_mem>>) src(%dma_wait3A_250 : memref<128x128xf32, #tpu.memory_space<vmem>>) dst(%dma_wait3A_247 : memref<128x128xf32, #tpu.memory_space<hbm>>)
    %dma_wait3A_251 = arith.constant 128 : i32
    %dma_wait3A_252 = arith.constant 0 : i32
    %dma_wait3A_253 = tpu.memref_slice %arg6[%dma_wait3A_251, %dma_wait3A_252] : memref<512x128xf32, #tpu.memory_space<vmem>> -> memref<128x128xf32, #tpu.memory_space<vmem>>
    %dma_wait3A_254 = arith.constant 0 : i32
    %dma_wait3A_255 = tpu.memref_slice %arg4[%add3A_186, %dma_wait3A_254] : memref<16384x128xf32, #tpu.memory_space<hbm>> -> memref<128x128xf32, #tpu.memory_space<hbm>>
    %dma_wait3A_256 = arith.constant 0 : i32
    %dma_wait3A_257 = tpu.memref_slice %arg4[%add3A_186, %dma_wait3A_256] : memref<16384x128xf32, #tpu.memory_space<hbm>> -> memref<128x128xf32, #tpu.memory_space<hbm>>
    %dma_wait3A_258 = arith.constant 128 : i32
    %dma_wait3A_259 = arith.constant 0 : i32
    %dma_wait3A_260 = tpu.memref_slice %arg6[%dma_wait3A_258, %dma_wait3A_259] : memref<512x128xf32, #tpu.memory_space<vmem>> -> memref<128x128xf32, #tpu.memory_space<vmem>>
    tpu.wait_dma2 semaphore(%arg9 : memref<!tpu.dma_semaphore, #tpu.memory_space<semaphore_mem>>) src(%dma_wait3A_260 : memref<128x128xf32, #tpu.memory_space<vmem>>) dst(%dma_wait3A_257 : memref<128x128xf32, #tpu.memory_space<hbm>>)
    %dma_wait3A_261 = arith.constant 256 : i32
    %dma_wait3A_262 = arith.constant 0 : i32
    %dma_wait3A_263 = tpu.memref_slice %arg6[%dma_wait3A_261, %dma_wait3A_262] : memref<512x128xf32, #tpu.memory_space<vmem>> -> memref<128x128xf32, #tpu.memory_space<vmem>>
    %dma_wait3A_264 = arith.constant 0 : i32
    %dma_wait3A_265 = tpu.memref_slice %arg4[%add3A_208, %dma_wait3A_264] : memref<16384x128xf32, #tpu.memory_space<hbm>> -> memref<128x128xf32, #tpu.memory_space<hbm>>
    %dma_wait3A_266 = arith.constant 0 : i32
    %dma_wait3A_267 = tpu.memref_slice %arg4[%add3A_208, %dma_wait3A_266] : memref<16384x128xf32, #tpu.memory_space<hbm>> -> memref<128x128xf32, #tpu.memory_space<hbm>>
    %dma_wait3A_268 = arith.constant 256 : i32
    %dma_wait3A_269 = arith.constant 0 : i32
    %dma_wait3A_270 = tpu.memref_slice %arg6[%dma_wait3A_268, %dma_wait3A_269] : memref<512x128xf32, #tpu.memory_space<vmem>> -> memref<128x128xf32, #tpu.memory_space<vmem>>
    tpu.wait_dma2 semaphore(%arg9 : memref<!tpu.dma_semaphore, #tpu.memory_space<semaphore_mem>>) src(%dma_wait3A_270 : memref<128x128xf32, #tpu.memory_space<vmem>>) dst(%dma_wait3A_267 : memref<128x128xf32, #tpu.memory_space<hbm>>)
    %dma_wait3A_271 = arith.constant 384 : i32
    %dma_wait3A_272 = arith.constant 0 : i32
    %dma_wait3A_273 = tpu.memref_slice %arg6[%dma_wait3A_271, %dma_wait3A_272] : memref<512x128xf32, #tpu.memory_space<vmem>> -> memref<128x128xf32, #tpu.memory_space<vmem>>
    %dma_wait3A_274 = arith.constant 0 : i32
    %dma_wait3A_275 = tpu.memref_slice %arg4[%add3A_230, %dma_wait3A_274] : memref<16384x128xf32, #tpu.memory_space<hbm>> -> memref<128x128xf32, #tpu.memory_space<hbm>>
    %dma_wait3A_276 = arith.constant 0 : i32
    %dma_wait3A_277 = tpu.memref_slice %arg4[%add3A_230, %dma_wait3A_276] : memref<16384x128xf32, #tpu.memory_space<hbm>> -> memref<128x128xf32, #tpu.memory_space<hbm>>
    %dma_wait3A_278 = arith.constant 384 : i32
    %dma_wait3A_279 = arith.constant 0 : i32
    %dma_wait3A_280 = tpu.memref_slice %arg6[%dma_wait3A_278, %dma_wait3A_279] : memref<512x128xf32, #tpu.memory_space<vmem>> -> memref<128x128xf32, #tpu.memory_space<vmem>>
    tpu.wait_dma2 semaphore(%arg9 : memref<!tpu.dma_semaphore, #tpu.memory_space<semaphore_mem>>) src(%dma_wait3A_280 : memref<128x128xf32, #tpu.memory_space<vmem>>) dst(%dma_wait3A_277 : memref<128x128xf32, #tpu.memory_space<hbm>>)
    return
  }
}

module attributes {stable_mosaic.version = 14 : i64} {
  func.func @_mlp_body(%arg0: i32, %arg1: memref<8192x128xf32, #tpu.memory_space<vmem>>, %arg2: memref<128x128xf32, #tpu.memory_space<vmem>>, %arg3: memref<1x128xf32, #tpu.memory_space<vmem>>, %arg4: memref<128x128xf32, #tpu.memory_space<vmem>>, %arg5: memref<1x128xf32, #tpu.memory_space<vmem>>, %arg6: memref<8192x128xf32, #tpu.memory_space<vmem>>) attributes {dimension_semantics = [#tpu.dimension_semantics<arbitrary>], iteration_bounds = array<i64: 2>, scalar_prefetch = 0 : i64, scratch_operands = 0 : i64, tpu.core_type = #tpu.core_type<tc>, window_params = [{transform_indices = @transform_0, window_bounds = array<i64: 8192, 128>}, {pipeline_mode = #tpu.pipeline_mode<synchronous>, transform_indices = @transform_1, window_bounds = array<i64: 128, 128>}, {pipeline_mode = #tpu.pipeline_mode<synchronous>, transform_indices = @transform_2, window_bounds = array<i64: 1, 128>}, {pipeline_mode = #tpu.pipeline_mode<synchronous>, transform_indices = @transform_3, window_bounds = array<i64: 128, 128>}, {pipeline_mode = #tpu.pipeline_mode<synchronous>, transform_indices = @transform_4, window_bounds = array<i64: 1, 128>}, {transform_indices = @transform_5, window_bounds = array<i64: 8192, 128>}]} {
    %get3A = arith.constant 0 : index
    %get3A_0 = arith.constant 0 : index
    %get3A_1 = vector.load %arg1[%get3A, %get3A_0] : memref<8192x128xf32, #tpu.memory_space<vmem>>, vector<8192x128xf32>
    %get3A_2 = arith.constant 0 : index
    %get3A_3 = arith.constant 0 : index
    %get3A_4 = vector.load %arg2[%get3A_2, %get3A_3] : memref<128x128xf32, #tpu.memory_space<vmem>>, vector<128x128xf32>
    %dot_general3A = arith.constant dense<0.000000e+00> : vector<8192x128xf32>
    %dot_general3A_5 = tpu.matmul %get3A_1, %get3A_4, %dot_general3A {dimension_numbers = #tpu.dot_dimension_numbers<[1], [0], [0], [1], [0, 0, 1, 1], [], []>, transpose_lhs_hint = false} : vector<8192x128xf32>, vector<128x128xf32>, vector<8192x128xf32> -> vector<8192x128xf32>
    %get3A_6 = arith.constant 0 : index
    %get3A_7 = arith.constant 0 : index
    %get3A_8 = vector.load %arg3[%get3A_6, %get3A_7] : memref<1x128xf32, #tpu.memory_space<vmem>>, vector<1x128xf32>
    %add3A = vector.broadcast %get3A_8 : vector<1x128xf32> to vector<8192x128xf32>
    %add3A_9 = arith.addf %dot_general3A_5, %add3A : vector<8192x128xf32>
    %logistic3A = arith.negf %add3A_9 : vector<8192x128xf32>
    %logistic3A_10 = math.exp %logistic3A : vector<8192x128xf32>
    %logistic3A_11 = arith.constant 1.000000e+00 : f32
    %logistic3A_12 = vector.broadcast %logistic3A_11 : f32 to vector<8192x128xf32>
    %logistic3A_13 = arith.addf %logistic3A_12, %logistic3A_10 : vector<8192x128xf32>
    %logistic3A_14 = arith.divf %logistic3A_12, %logistic3A_13 : vector<8192x128xf32>
    %mul3A = arith.mulf %add3A_9, %logistic3A_14 : vector<8192x128xf32>
    %get3A_15 = arith.constant 0 : index
    %get3A_16 = arith.constant 0 : index
    %get3A_17 = vector.load %arg4[%get3A_15, %get3A_16] : memref<128x128xf32, #tpu.memory_space<vmem>>, vector<128x128xf32>
    %dot_general3A_18 = arith.constant dense<0.000000e+00> : vector<8192x128xf32>
    %dot_general3A_19 = tpu.matmul %mul3A, %get3A_17, %dot_general3A_18 {dimension_numbers = #tpu.dot_dimension_numbers<[1], [0], [0], [1], [0, 0, 1, 1], [], []>, transpose_lhs_hint = false} : vector<8192x128xf32>, vector<128x128xf32>, vector<8192x128xf32> -> vector<8192x128xf32>
    %get3A_20 = arith.constant 0 : index
    %get3A_21 = arith.constant 0 : index
    %get3A_22 = vector.load %arg5[%get3A_20, %get3A_21] : memref<1x128xf32, #tpu.memory_space<vmem>>, vector<1x128xf32>
    %add3A_23 = vector.broadcast %get3A_22 : vector<1x128xf32> to vector<8192x128xf32>
    %add3A_24 = arith.addf %dot_general3A_19, %add3A_23 : vector<8192x128xf32>
    %swap3A = arith.constant 0 : index
    %swap3A_25 = arith.constant 0 : index
    %swap3A_26 = vector.load %arg6[%swap3A, %swap3A_25] : memref<8192x128xf32, #tpu.memory_space<vmem>>, vector<8192x128xf32>
    tpu.vector_store %arg6[%swap3A, %swap3A_25], %add3A_24 {strides = array<i32>} : memref<8192x128xf32, #tpu.memory_space<vmem>>, vector<8192x128xf32>,
    return
  }
  func.func @transform_0(%arg0: i32) -> (i32, i32) {
    %c0_i32 = arith.constant 0 : i32
    %c0_i32_0 = arith.constant 0 : i32
    return %arg0, %c0_i32 : i32, i32
  }
  func.func @transform_1(%arg0: i32) -> (i32, i32) {
    %c0_i32 = arith.constant 0 : i32
    %c0_i32_0 = arith.constant 0 : i32
    %c0_i32_1 = arith.constant 0 : i32
    return %c0_i32, %c0_i32_0 : i32, i32
  }
  func.func @transform_2(%arg0: i32) -> (i32, i32) {
    %c0_i32 = arith.constant 0 : i32
    %c0_i32_0 = arith.constant 0 : i32
    %c0_i32_1 = arith.constant 0 : i32
    return %c0_i32, %c0_i32_0 : i32, i32
  }
  func.func @transform_3(%arg0: i32) -> (i32, i32) {
    %c0_i32 = arith.constant 0 : i32
    %c0_i32_0 = arith.constant 0 : i32
    %c0_i32_1 = arith.constant 0 : i32
    return %c0_i32, %c0_i32_0 : i32, i32
  }
  func.func @transform_4(%arg0: i32) -> (i32, i32) {
    %c0_i32 = arith.constant 0 : i32
    %c0_i32_0 = arith.constant 0 : i32
    %c0_i32_1 = arith.constant 0 : i32
    return %c0_i32, %c0_i32_0 : i32, i32
  }
  func.func @transform_5(%arg0: i32) -> (i32, i32) {
    %c0_i32 = arith.constant 0 : i32
    %c0_i32_0 = arith.constant 0 : i32
    return %arg0, %c0_i32 : i32, i32
  }
}

</mosaic_0001>

<sc_bundles>
// kernel: kernel.4.cloned.1.call-start
scs
__scs_entry_jumppad:
0x0: {  	(pc) =	sbr.rel $0x88, $3  }
0x1: {  	(tag) =	ssettag $0x0;
	lr =	simm.s32 $0x1  }
0x2: {  	[smem:$0x3F9B] =	sst lr;
	_ =	strace $0xD0000000  }
0x3: {  	_ = 	snop  }
0x4: {  	_ = 	snop  }
0x5: {  	_ = 	snop  }
0x6: {  	_ = 	snop  }
0x7: {  	_ = 	snop  }
__scs_overlays_trampoline_lowered:
0x8: {  	[smem:$0x3FAA] =	sst s0  }
0x9: {  	[smem:$0x3FAB] =	sst s1  }
0xa: {  	[smem:$0x3FAC] =	sst s2  }
0xb: {  	[smem:$0x3FAD] =	sst s3  }
0xc: {  	[smem:$0x3FAE] =	sst s4  }
0xd: {  	[smem:$0x3FAF] =	sst s5  }
0xe: {  	[smem:$0x3FB0] =	sst s6  }
0xf: {  	[smem:$0x3FB1] =	sst s7  }
0x10: {  	[smem:$0x3FB2] =	sst s8  }
0x11: {  	[smem:$0x3FB3] =	sst s9;
	s0 =	simm.s32 @!p0 $0x0  }
0x12: {  	s1 =	sld [smem:$0x3F99];
	s0 =	simm.s32 @p0 $0x1  }
0x13: {  	[smem:$0x3FB4] =	sst s0;
	s0 =	simm.s32 @!p1 $0x0  }
0x14: {  	s2 =	sld [smem:$0x3F98];
	s0 =	simm.s32 @p1 $0x1  }
0x15: {  	[smem:$0x3FB5] =	sst s0;
	s0 =	simm.s32 @!p2 $0x0  }
0x16: {  	s3 =	sld [smem:$0x3FDB];
	s0 =	simm.s32 @p2 $0x1  }
0x17: {  	s4 =	simm.s32 $0x1BF5;
	[smem:$0x3FB7] =	sst s0  }
0x18: {  	s0 =	sld [smem:$0x3F9A];
	_ =	swait.ge [sflag:s4], $0x0  }
0x19: {  	s7 =	sld [smem:$0x3F9B]  }
0x1a: {  	s8 =	sadd.s32 $0xFFFFE003, lr  }
0x1b: {  	s9 =	sadd.s32 $0xFFFFFEF7, lr;
	s5 =	simm.s32 $0xFFFFFFFF;
	p2 =	slt.u32 s8, $0xFFFFF086  }
0x1c: {  	p1 =	slt.u32 s9, $0xF7A;
	s5 =	simm.s32 @!p2 $0x0  }
0x1d: {  	s5 =	simm.s32 @p1 $0x1;
	p0 =	seq.s32 s7, s2  }
0x1e: {  	s7 =	smul.u32 @!p0 $0xF7A, s2;
	p2 =	seq.s32 @!p0 s5, $0x0  }
0x1f: {  	s9 =	smul.u32 $0xF7A, s1;
	s8 =	simm.s32 @!p0 $0x1BF5;
	p2 =	por !p2, p0  }
0x20: {  	[sflag:s8] =	ssyncset.s32 @!p0 $0xFFFFF086;
	s6 =	sadd.s32 @!p0 s3, s7;
	s7 =	simm.s32 @!p0 $0x108  }
0x21: {  	s3 =	sadd.s32 s3, s9;
	s6 =	sadd.s32 @!p0 $0x88, s6;
	s7 =	simm.s32 @p2 $0x1082  }
0x22: {  	[simem:s7], [sflag:s8] =	dma.local @!p0 [hbm:s6], $0xF7A  }
0x23: {  	s9 =	sor.u32 $0xD0000000, s2;
	s6 =	simm.s32 $0x108;
	_ =	swait.ge @!p0 [sflag:s8], $0x0  }
0x24: {  	s3 =	sadd.s32 $0x88, s3;
	s6 =	simm.s32 @!p1 $0x1082;
	[sflag:s4] =	ssyncset.s32 $0xFFFFF086  }
0x25: {  	[simem:s6], [sflag:s4] =	dma.local [hbm:s3], $0xF7A  }
0x26: {  	[smem:$0x3F9B] =	sst s1;
	(tag) =	ssettag s2;
	_ =	strace s9  }
0x27: {  	s1 =	sld [smem:$0x3FAB]  }
0x28: {  	s2 =	sld [smem:$0x3FAC]  }
0x29: {  	s4 =	sld [smem:$0x3FAE]  }
0x2a: {  	p0 =	seq.s32 s5, $0x0;
	s5 =	sld [smem:$0x3FAF]  }
0x2b: {  	s6 =	sld [smem:$0x3FB0]  }
0x2c: {  	s7 =	sld [smem:$0x3FB1]  }
0x2d: {  	s3 =	simm.s32 $0x108;
	s8 =	sld [smem:$0x3FB2]  }
0x2e: {  	s3 =	simm.s32 @!p0 $0x1082;
	s9 =	sld [smem:$0x3FB3]  }
0x2f: {  	lr =	sadd.s32 s0, s3;
	s0 =	sld [smem:$0x3FAA]  }
0x30: {  	s3 =	sld [smem:$0x3FAD]  }
0x31: {  	[smem:$0x3FB6] =	sst s10  }
0x32: {  	s10 =	sld [smem:$0x3FB4];
	_ =	sdelay $0x3  }
0x33: {  	p0 =	seq.s32 s10, $0x1;
	s10 =	sld [smem:$0x3FB6];
	_ =	sdelay $0x3  }
0x34: {  	[smem:$0x3FB6] =	sst s10  }
0x35: {  	s10 =	sld [smem:$0x3FB5];
	_ =	sdelay $0x3  }
0x36: {  	p1 =	seq.s32 s10, $0x1;
	s10 =	sld [smem:$0x3FB6];
	_ =	sdelay $0x3  }
0x37: {  	[smem:$0x3FB6] =	sst s10  }
0x38: {  	s10 =	sld [smem:$0x3FB7]  }
0x39: {  	_ = 	snop;
	(pc) =	sbr.ind lr, $3  }
0x3a: {  	_ = 	snop  }
0x3b: {  	_ = 	snop  }
0x3c: {  	p2 =	seq.s32 s10, $0x1;
	s10 =	sld [smem:$0x3FB6]  }
0x3d: {  	_ =	shalt  }
0x3e: {  	_ =	shalt  }
0x3f: {  	_ =	shalt  }
0x40: {  	_ =	shalt  }
0x41: {  	_ =	shalt  }
0x42: {  	_ =	shalt  }
0x43: {  	_ =	shalt  }
0x44: {  	_ =	shalt  }
0x45: {  	_ =	shalt  }
0x46: {  	_ =	shalt  }
0x47: {  	_ =	shalt  }
0x48: {  	_ =	shalt  }
0x49: {  	_ =	shalt  }
0x4a: {  	_ =	shalt  }
0x4b: {  	_ =	shalt  }
0x4c: {  	_ =	shalt  }
0x4d: {  	_ =	shalt  }
0x4e: {  	_ =	shalt  }
0x4f: {  	_ =	shalt  }
0x50: {  	_ =	shalt  }
0x51: {  	_ =	shalt  }
0x52: {  	_ =	shalt  }
0x53: {  	_ =	shalt  }
0x54: {  	_ =	shalt  }
0x55: {  	_ =	shalt  }
0x56: {  	_ =	shalt  }
0x57: {  	_ =	shalt  }
0x58: {  	_ =	shalt  }
0x59: {  	_ =	shalt  }
0x5a: {  	_ =	shalt  }
0x5b: {  	_ =	shalt  }
0x5c: {  	_ =	shalt  }
0x5d: {  	_ =	shalt  }
0x5e: {  	_ =	shalt  }
0x5f: {  	_ =	shalt  }
0x60: {  	_ =	shalt  }
0x61: {  	_ =	shalt  }
0x62: {  	_ =	shalt  }
0x63: {  	_ =	shalt  }
0x64: {  	_ =	shalt  }
0x65: {  	_ =	shalt  }
0x66: {  	_ =	shalt  }
0x67: {  	_ =	shalt  }
0x68: {  	_ =	shalt  }
0x69: {  	_ =	shalt  }
0x6a: {  	_ =	shalt  }
0x6b: {  	_ =	shalt  }
0x6c: {  	_ =	shalt  }
0x6d: {  	_ =	shalt  }
0x6e: {  	_ =	shalt  }
0x6f: {  	_ =	shalt  }
0x70: {  	_ =	shalt  }
0x71: {  	_ =	shalt  }
0x72: {  	_ =	shalt  }
0x73: {  	_ =	shalt  }
0x74: {  	_ =	shalt  }
0x75: {  	_ =	shalt  }
0x76: {  	_ =	shalt  }
0x77: {  	_ =	shalt  }
0x78: {  	_ =	shalt  }
0x79: {  	_ =	shalt  }
0x7a: {  	_ =	shalt  }
0x7b: {  	_ =	shalt  }
0x7c: {  	_ =	shalt  }
0x7d: {  	_ =	shalt  }
0x7e: {  	_ =	shalt  }
0x7f: {  	_ =	shalt  }
0x80: {  	_ =	shalt  }
0x81: {  	_ =	shalt  }
0x82: {  	_ =	shalt  }
0x83: {  	_ =	shalt  }
0x84: {  	_ =	shalt  }
0x85: {  	_ =	shalt  }
0x86: {  	_ =	shalt  }
0x87: {  	_ =	shalt  }
.Lfunc_end0:
.L_simem_size_0:
called_computation_lowered:
.L_overlay_start_0:
0x88: {  	s2 =	sld [smem:$0x3FD9]  }
0x89: {  	s3 =	sld [smem:$0x3FFE];
	_ =	sdelay $0x1  }
0x8a: {  	s1 =	srdreg.scid  }
0x8b: {  	s0 =	sand.u32 $0x1, s1  }
0x8c: {  	s18 =	sshll.u32 s0, $0xA;
	s2 =	sadd.s32 s3, s2  }
0x8d: {  	s2 =	sadd.s32 s2, s18  }
0x8e: {  	[smem:$0x3FC2] =	sst s2  }
0x8f: {  	_ = 	snop  }
0x90: {  	s2 =	sld [smem:$0x3FC9]  }
0x91: {  	s19 =	sld [smem:$0x3FC8]  }
0x92: {  	s4 =	sld [smem:$0x3FD0];
	(tm) =	ssettm $0x1  }
0x93: {  	s5 =	sld [smem:$0x3FFB];
	_ =	sdelay $0x3  }
0x94: {  	_ =	strace s5  }
0x95: {  	s5 =	sld [smem:$0x3FFC];
	_ =	sdelay $0x3  }
0x96: {  	_ =	strace s5  }
0x97: {  	s5 =	sld [smem:$0x3FFD];
	_ =	sdelay $0x3  }
0x98: {  	_ =	strace s5  }
0x99: {  	_ =	strace $0x8FFFFFFF  }
0x9a: {  	s20 =	sld [smem:$0x3FDB];
	_ =	sdelay $0x1  }
0x9b: {  	s6 =	simm.s32 $_scs_section_size  }
0x9c: {  	s7 =	simm.s32 $_size__tile_overlayer_lowered;
	s8 =	simm.s32 $_tile_overlayer_lowered  }
0x9d: {  	s23 =	simm.s32 $0x1BFF;
	s22 =	sshll.u32 s8, $0x1;
	s5 =	sadd.s32 s6, s20  }
0x9e: {  	s9 =	simm.s32 $0x0;
	s21 =	sshll.u32 s7, $0x1;
	s7 =	sadd.s32 s22, s5  }
0x9f: {  	[timem:s9], [sflag:s23] =	dma.local [hbm:s7], s21  }
0xa0: {  	_ =	swait.ge [sflag:s23], s21  }
0xa1: {  	s6 =	ssub.s32 $0x0, s21;
	[sflag:s23] =	ssyncset.done $0x0  }
0xa2: {  	[sflag:s23] =	ssyncadd.s32 s6;
	_ =	sdelay $0x1  }
0xa3: {  	s24 =	simm.s32 $0x1B8B  }
0xa4: {  	_ =	swait.ge [sflag:s24], $0x1  }
0xa5: {  	[sflag:s24] =	ssyncset.done $0x0  }
0xa6: {  	s25 =	simm.s32 $0x1B8E;
	[sflag:s24] =	ssyncadd.s32 $0xFFFFFFFF  }
0xa7: {  	s26 =	simm.s32 $execute0_lowered;
	[smem:$0x3FD2] =	sst s25  }
0xa8: {  	s6 =	sshll.u32 s26, $0x1;
	_ =	strace $0x80000046;
	[dreg:$0x1] =	wrdreg $0xFFFFFFFF  }
0xa9: {  	s28 =	simm.s32 $_size_execute0_lowered;
	s5 =	sadd.s32 s5, s6;
	[dreg:$0x0] =	wrdreg $0x0  }
0xaa: {  	s6 =	sshll.u32 s28, $0x1;
	[dreg:$0x2] =	wrdreg s5  }
0xab: {  	[dreg:$0x3] =	wrdreg s6  }
0xac: {  	[dreg:$0x4] =	wrdreg $0xC0  }
0xad: {  	_ =	task [dreg:s9], $0x5FFFF  }
0xae: {  	[dreg:$0x1] =	wrdreg $0xFFFFFFFF  }
0xaf: {  	[dreg:$0x0] =	wrdreg $0x60  }
0xb0: {  	[dreg:$0x2] =	wrdreg s19  }
0xb1: {  	[dreg:$0x3] =	wrdreg s2  }
0xb2: {  	[dreg:$0x4] =	wrdreg s4  }
0xb3: {  	[dreg:$0x5] =	wrdreg $0x9  }
0xb4: {  	_ =	task.clear_ibuf [dreg:s9], $0x6FFFF;
	_ =	strace $0x90000046  }
0xb5: {  	s29 =	simm.s32 $0x9;
	_ =	strace $0x80000048  }
0xb6: {  	_ =	swait.ge [sflag:s29], $0x1  }
0xb7: {  	[sflag:s29] =	ssyncadd.s32 $0xFFFFFFFF  }
0xb8: {  	_ =	strace $0x90000048  }
0xb9: {  	_ =	sfence  }
0xba: {  	s30 =	sld [smem:$0x0];
	_ =	sdelay $0x2  }
0xbb: {  	s31 =	sshll.u32 s1, $0xD;
	s1 =	sshrl.u32 s1, $0x2  }
0xbc: {  	s3 =	sand.u32 $0x4000, s31;
	s1 =	sadd.s32 s1, s30  }
0xbd: {  	s0 =	sor.u32 s3, s0;
	s1 =	sshll.u32 s1, $0x11  }
0xbe: {  	s0 =	sor.u32 s1, s0  }
0xbf: {  	s0 =	sadd.s32 $0x8F2B, s0  }
0xc0: {  	[sflag:s0] =	ssyncadd.remote.s32 $0x1  }
0xc1: {  	_ =	sfence.sel $0xFFFF  }
0xc2: {  	[dreg:$0x0] =	wrdreg $0xFFFFFFFF;
	(pc) =	sbr.abs _section_cstart, $3  }
0xc3: {  	[dreg:$0x1] =	wrdreg $0xFFFFFFFF  }
0xc4: {  	_ =	task.clear_ibuf [dreg:s9], $0x2FFFF;
	_ =	strace $0x9FFFFFFF  }
0xc5: {  	(tm) =	ssettm $0x7FFFFFFF  }
tec
execute0_lowered:
.L_overlay_start_1:
0x0: {  	(tag) =	ssettag $0x1  }
0x1: {  	s1 =	rddreg [dreg:$0x0];
	s2 =	srdreg.scid  }
0x2: {  	s9 =	rddreg [dreg:$0x1];
	s0 =	stileid.u32  }
0x3: {  	s20 =	rddreg [dreg:$0x2];
	s3 =	simm.s32 $0x0;
	s22 =	sand.u32 $0x1, s2  }
0x4: {  	s4 =	sshll.u32 s0, $0xA;
	s2 =	rddreg [dreg:$0x3];
	s5 =	sshll.u32 s22, $0x9  }
0x5: {  	s6 =	simm.s32 $0x80;
	[smem:$0x7FF] =	sst s3;
	s17 =	sor.u32 s5, s4  }
0x6: {  	_ =	strace $0x80000047;
	s18 =	sor.u32 $0x80, s17;
	s4 =	sshrl.u32 s17, $0x3  }
0x7: {  	s19 =	sor.u32 $0x100, s17;
	s31 =	sshrl.u32 s18, $0x3;
	s4 =	sadd.s32 s9, s4  }
0x8: {  	[tilespmem:s3], [sflag:$0x1] =	stream.linear.gather [hbm4b:s4+s3], $0x80, $0x38;
	[tilespmem:$0x10200] =	vst v63  }
0x9: {  	s21 =	sor.u32 $0x180, s17;
	s7 =	sshrl.u32 s19, $0x3;
	s5 =	sadd.s32 s9, s31  }
0xa: {  	[tilespmem:s6], [sflag:$0x1] =	stream.linear.gather [hbm4b:s5+s3], $0x80, $0x38;
	[tilespmem:$0x10200] =	vst v63  }
0xb: {  	s8 =	simm.s32 $0x100;
	s10 =	sshrl.u32 s21, $0x3;
	s7 =	sadd.s32 s9, s7  }
0xc: {  	[tilespmem:s8], [sflag:$0x1] =	stream.linear.gather [hbm4b:s7+s3], $0x80, $0x38;
	[tilespmem:$0x10200] =	vst v63  }
0xd: {  	s11 =	simm.s32 $0x1;
	s9 =	sadd.s32 s9, s10;
	s10 =	simm.s32 $0x180  }
0xe: {  	[tilespmem:s10], [sflag:$0x1] =	stream.linear.gather [hbm4b:s9+s3], $0x80, $0x38;
	[tilespmem:$0x10200] =	vst v63  }
0xf: {  	_ =	swait.ge [sflag:s11], $0x80  }
0x10: {  	[sflag:s11] =	ssyncset.done $0x0  }
0x11: {  	s12 =	simm.s32 $0x200;
	[sflag:s11] =	ssyncadd.s32 $0xFFFFFF80  }
0x12: {  	[tilespmem:s12], [sflag:$0x2] =	stream.indirect.gather [hbm4b:s1+s6], $0x80, s3, s6, $0xb8;
	[tilespmem:$0x10200] =	vst v63  }
0x13: {  	_ =	swait.ge [sflag:s11], $0x80  }
0x14: {  	[sflag:s11] =	ssyncset.done $0x0  }
0x15: {  	s13 =	simm.s32 $0x4200;
	[sflag:s11] =	ssyncadd.s32 $0xFFFFFF80  }
0x16: {  	[tilespmem:s13], [sflag:$0x2] =	stream.indirect.gather [hbm4b:s1+s6], $0x80, s6, s6, $0xb8;
	[tilespmem:$0x10200] =	vst v63  }
0x17: {  	_ =	swait.ge [sflag:s11], $0x80  }
0x18: {  	[sflag:s11] =	ssyncset.done $0x0  }
0x19: {  	s14 =	simm.s32 $0x8200;
	[sflag:s11] =	ssyncadd.s32 $0xFFFFFF80  }
0x1a: {  	[tilespmem:s14], [sflag:$0x2] =	stream.indirect.gather [hbm4b:s1+s6], $0x80, s8, s6, $0xb8;
	[tilespmem:$0x10200] =	vst v63  }
0x1b: {  	_ =	swait.ge [sflag:s11], $0x80  }
0x1c: {  	[sflag:s11] =	ssyncset.done $0x0  }
0x1d: {  	s15 =	simm.s32 $0xC200;
	s16 =	simm.s32 $0x2;
	[sflag:s11] =	ssyncadd.s32 $0xFFFFFF80  }
0x1e: {  	[tilespmem:s15], [sflag:$0x2] =	stream.indirect.gather [hbm4b:s1+s6], $0x80, s10, s6, $0xb8;
	[tilespmem:$0x10200] =	vst v63  }
0x1f: {  	_ =	swait.ge [sflag:s16], $0x4000  }
0x20: {  	s17 =	sshll.u32 s17, $0x4;
	[sflag:s16] =	ssyncset.done $0x0  }
0x21: {  	s17 =	sadd.s32 s20, s17;
	[sflag:s16] =	ssyncadd.s32 $0xFFFFC000  }
0x22: {  	[hbm4b:s17+s3] =	stream.linear.scatter [tilespmem:s12], [sflag:$0x3], $0x4000, $0x38;
	[tilespmem:$0x10200] =	vst v63  }
0x23: {  	_ =	swait.ge [sflag:s16], $0x4000  }
0x24: {  	s18 =	sshll.u32 s18, $0x4;
	[sflag:s16] =	ssyncset.done $0x0  }
0x25: {  	s18 =	sadd.s32 s20, s18;
	[sflag:s16] =	ssyncadd.s32 $0xFFFFC000  }
0x26: {  	[hbm4b:s18+s3] =	stream.linear.scatter [tilespmem:s13], [sflag:$0x3], $0x4000, $0x38;
	[tilespmem:$0x10200] =	vst v63  }
0x27: {  	_ =	swait.ge [sflag:s16], $0x4000  }
0x28: {  	s19 =	sshll.u32 s19, $0x4;
	[sflag:s16] =	ssyncset.done $0x0  }
0x29: {  	s19 =	sadd.s32 s20, s19;
	[sflag:s16] =	ssyncadd.s32 $0xFFFFC000  }
0x2a: {  	[hbm4b:s19+s3] =	stream.linear.scatter [tilespmem:s14], [sflag:$0x3], $0x4000, $0x38;
	[tilespmem:$0x10200] =	vst v63  }
0x2b: {  	_ =	swait.ge [sflag:s16], $0x4000  }
0x2c: {  	s21 =	sshll.u32 s21, $0x4;
	[sflag:s16] =	ssyncset.done $0x0  }
0x2d: {  	s21 =	sadd.s32 s20, s21;
	s20 =	simm.s32 $0x3;
	[sflag:s16] =	ssyncadd.s32 $0xFFFFC000  }
0x2e: {  	[hbm4b:s21+s3] =	stream.linear.scatter [tilespmem:s15], [sflag:$0x3], $0x4000, $0x38;
	[tilespmem:$0x10200] =	vst v63  }
0x2f: {  	_ =	swait.ge [sflag:s20], $0x4000  }
0x30: {  	s22 =	ssub.s32 $0x2, s22;
	[sflag:s20] =	ssyncset.done $0x0  }
0x31: {  	s23 =	sshrl.u32 s22, $0x1;
	[sflag:s20] =	ssyncadd.s32 $0xFFFFC000  }
0x32: {  	s22 =	ssub.s32 s22, s23;
	_ =	swait.ge [sflag:s20], $0x4000  }
0x33: {  	s22 =	smax.u32 s22, $0x1;
	[sflag:s20] =	ssyncset.done $0x0  }
0x34: {  	p0 =	sne.s32 s22, $0x1;
	[sflag:s20] =	ssyncadd.s32 $0xFFFFC000  }
.Ltmp0:
0x35: {  	_ =	swait.ge [sflag:s20], $0x4000;
	(pc) =	sbr.rel @!p0 .LBB2_2-.Ltmp0, $4  }
0x36: {  	[sflag:s20] =	ssyncset.done $0x0  }
0x37: {  	[sflag:s20] =	ssyncadd.s32 $0xFFFFC000  }
0x38: {  	_ =	swait.ge [sflag:s20], $0x4000  }
0x39: {  	s22 =	sadd.s32 $0xFFFFFFFF, s22;
	[sflag:s20] =	ssyncset.done $0x0  }
.LBB2_1:
0x3a: {  	p0 =	sne.s32 s22, $0x1;
	s22 =	sadd.s32 $0xFFFFFFFF, s22;
	[sflag:s20] =	ssyncadd.s32 $0xFFFFC000  }
0x3b: {  	[tilespmem:s3], [sflag:$0x1] =	stream.linear.gather [hbm4b:s4+s3], $0x80, $0x38;
	[tilespmem:$0x10200] =	vst v63  }
0x3c: {  	_ = 	snop  }
0x3d: {  	[tilespmem:s6], [sflag:$0x1] =	stream.linear.gather [hbm4b:s5+s3], $0x80, $0x38;
	[tilespmem:$0x10200] =	vst v63  }
0x3e: {  	_ = 	snop  }
0x3f: {  	[tilespmem:s8], [sflag:$0x1] =	stream.linear.gather [hbm4b:s7+s3], $0x80, $0x38;
	[tilespmem:$0x10200] =	vst v63  }
0x40: {  	_ = 	snop  }
0x41: {  	[tilespmem:s10], [sflag:$0x1] =	stream.linear.gather [hbm4b:s9+s3], $0x80, $0x38;
	[tilespmem:$0x10200] =	vst v63  }
0x42: {  	_ =	swait.ge [sflag:s11], $0x80  }
0x43: {  	[sflag:s11] =	ssyncset.done $0x0  }
0x44: {  	[sflag:s11] =	ssyncadd.s32 $0xFFFFFF80  }
0x45: {  	[tilespmem:s12], [sflag:$0x2] =	stream.indirect.gather [hbm4b:s1+s6], $0x80, s3, s6, $0xb8;
	[tilespmem:$0x10200] =	vst v63  }
0x46: {  	_ =	swait.ge [sflag:s11], $0x80  }
0x47: {  	[sflag:s11] =	ssyncset.done $0x0  }
0x48: {  	[sflag:s11] =	ssyncadd.s32 $0xFFFFFF80  }
0x49: {  	[tilespmem:s13], [sflag:$0x2] =	stream.indirect.gather [hbm4b:s1+s6], $0x80, s6, s6, $0xb8;
	[tilespmem:$0x10200] =	vst v63  }
0x4a: {  	_ =	swait.ge [sflag:s11], $0x80  }
0x4b: {  	[sflag:s11] =	ssyncset.done $0x0  }
0x4c: {  	[sflag:s11] =	ssyncadd.s32 $0xFFFFFF80  }
0x4d: {  	[tilespmem:s14], [sflag:$0x2] =	stream.indirect.gather [hbm4b:s1+s6], $0x80, s8, s6, $0xb8;
	[tilespmem:$0x10200] =	vst v63  }
0x4e: {  	_ =	swait.ge [sflag:s11], $0x80  }
0x4f: {  	[sflag:s11] =	ssyncset.done $0x0  }
0x50: {  	[sflag:s11] =	ssyncadd.s32 $0xFFFFFF80  }
0x51: {  	[tilespmem:s15], [sflag:$0x2] =	stream.indirect.gather [hbm4b:s1+s6], $0x80, s10, s6, $0xb8;
	[tilespmem:$0x10200] =	vst v63  }
0x52: {  	_ =	swait.ge [sflag:s16], $0x4000  }
0x53: {  	[sflag:s16] =	ssyncset.done $0x0  }
0x54: {  	[sflag:s16] =	ssyncadd.s32 $0xFFFFC000  }
0x55: {  	[hbm4b:s17+s3] =	stream.linear.scatter [tilespmem:s12], [sflag:$0x3], $0x4000, $0x38;
	[tilespmem:$0x10200] =	vst v63  }
0x56: {  	_ =	swait.ge [sflag:s16], $0x4000  }
0x57: {  	[sflag:s16] =	ssyncset.done $0x0  }
0x58: {  	[sflag:s16] =	ssyncadd.s32 $0xFFFFC000  }
0x59: {  	[hbm4b:s18+s3] =	stream.linear.scatter [tilespmem:s13], [sflag:$0x3], $0x4000, $0x38;
	[tilespmem:$0x10200] =	vst v63  }
0x5a: {  	_ =	swait.ge [sflag:s16], $0x4000  }
0x5b: {  	[sflag:s16] =	ssyncset.done $0x0  }
0x5c: {  	[sflag:s16] =	ssyncadd.s32 $0xFFFFC000  }
0x5d: {  	[hbm4b:s19+s3] =	stream.linear.scatter [tilespmem:s14], [sflag:$0x3], $0x4000, $0x38;
	[tilespmem:$0x10200] =	vst v63  }
0x5e: {  	_ =	swait.ge [sflag:s16], $0x4000  }
0x5f: {  	[sflag:s16] =	ssyncset.done $0x0  }
0x60: {  	[sflag:s16] =	ssyncadd.s32 $0xFFFFC000  }
0x61: {  	[hbm4b:s21+s3] =	stream.linear.scatter [tilespmem:s15], [sflag:$0x3], $0x4000, $0x38;
	[tilespmem:$0x10200] =	vst v63  }
0x62: {  	_ =	swait.ge [sflag:s20], $0x4000  }
0x63: {  	[sflag:s20] =	ssyncset.done $0x0  }
0x64: {  	[sflag:s20] =	ssyncadd.s32 $0xFFFFC000  }
0x65: {  	_ =	swait.ge [sflag:s20], $0x4000  }
0x66: {  	[sflag:s20] =	ssyncset.done $0x0  }
0x67: {  	[sflag:s20] =	ssyncadd.s32 $0xFFFFC000  }
.Ltmp1:
0x68: {  	_ =	swait.ge [sflag:s20], $0x4000;
	(pc) =	sbr.rel @p0 .LBB2_1-.Ltmp1, $4  }
0x69: {  	[sflag:s20] =	ssyncset.done $0x0  }
0x6a: {  	[sflag:s20] =	ssyncadd.s32 $0xFFFFC000  }
0x6b: {  	_ =	swait.ge [sflag:s20], $0x4000  }
0x6c: {  	[sflag:s20] =	ssyncset.done $0x0  }
.LBB2_2:
0x6d: {  	[sflag:s20] =	ssyncadd.s32 $0xFFFFC000  }
0x6e: {  	_ =	sfence.sel $0x180000  }
0x6f: {  	[bflag:$0x0] =	sbarrier.arrive $0xFFFF  }
0x70: {  	p0 =	sne.s32 s0, $0x0;
	_ =	strace $0x90000047  }
0x71: {  	s0 =	sadd.s32 @!p0 $0x100000, s2;
	[bflag:$0x2] =	sbarrier.arrive $0xFFFF  }
0x72: {  	[sflag:s0] =	ssyncadd.tile.s32 @!p0 $0x1;
	_ =	shalt  }
.Lfunc_end2:
_tile_overlayer_lowered:
.L_overlay_start_2:
0x73: {  	(tag) =	ssettag $0x2  }
0x74: {  	s0 =	rddreg [dreg:$0x0];
	s2 =	stileid.u32  }
0x75: {  	s1 =	rddreg [dreg:$0x1];
	p0 =	sne.s32 s2, $0x0  }
0x76: {  	s3 =	rddreg [dreg:$0x2];
	[bflag:$0x3] =	sbarrier.arrive $0xFFFF;
	s2 =	simm.s32 @!p0 $0x1C04  }
0x77: {  	[timem:s3], [sflag:s2] =	dma.local @!p0 [hbm:s0], s1  }
0x78: {  	s0 =	simm.s32 @!p0 $0x4  }
0x79: {  	_ =	swait.ge @!p0 [sflag:s0], s1  }
0x7a: {  	s1 =	ssub.s32 @!p0 $0x0, s1;
	[sflag:s0] =	ssyncset.done @!p0 $0x0  }
0x7b: {  	[sflag:s0] =	ssyncadd.s32 @!p0 s1  }
0x7c: {  	[bflag:$0x3] =	sbarrier.arrive $0xFFFF  }
0x7d: {  	_ =	shalt  }

</sc_bundles>
